<compile_context>
chip_gen: v7x
topology: tpu7x:2x2x1
jax: 0.10.2.dev20260603
libtpu: 0.0.44.dev20260713+nightly
codegen_flags: <defaults>
</compile_context>

<pallas_src>
import functools

import jax
import jax.numpy as jnp
from jax import lax
from jax.experimental import pallas as pl
from jax.experimental.pallas import tpu as pltpu
from jax.experimental.pallas import tpu_sc as plsc

_LANES = 16
_ALIGN = 8


@functools.lru_cache(maxsize=None)
def _build_gather(n, s, d):
    n_blocks = n // _ALIGN
    info = plsc.get_sparse_core_info()
    n_workers = info.num_cores * info.num_subcores
    col_chunks = n_workers // n_blocks
    assert d % col_chunks == 0
    dc = d // col_chunks
    mesh = plsc.VectorSubcoreMesh(core_axis_name="c", subcore_axis_name="s")

    @functools.partial(
        pl.kernel,
        mesh=mesh,
        out_type=jax.ShapeDtypeStruct((n, d), jnp.float32),
        scratch_types=[
            pltpu.VMEM((_LANES,), jnp.int32),
            pltpu.VMEM((_ALIGN, dc), jnp.float32),
            pltpu.SemaphoreType.DMA,
        ],
    )
    def gather_kernel(table_hbm, idx_hbm, out_hbm, idx_v, tile_v, sem):
        wid = lax.axis_index("s") * info.num_cores + lax.axis_index("c")
        ib = wid // col_chunks
        cc = wid % col_chunks
        base = ib * _ALIGN
        col = cc * dc
        pltpu.sync_copy(idx_hbm.at[pl.ds(base, _ALIGN)], idx_v.at[pl.ds(0, _ALIGN)])
        idx_v[...] = idx_v[...] + (lax.iota(jnp.int32, _LANES) + base) * s
        pltpu.async_copy(
            table_hbm.at[idx_v.at[pl.ds(0, _ALIGN)], pl.ds(col, dc)], tile_v, sem
        ).wait()
        pltpu.sync_copy(tile_v, out_hbm.at[pl.ds(base, _ALIGN), pl.ds(col, dc)])

    return gather_kernel


def kernel(hidden_states, mc_token_ids):
    b, c, s, d = hidden_states.shape
    n = b * c
    table = hidden_states.reshape(n * s, d)
    idx = mc_token_ids.reshape(n).astype(jnp.int32)
    out = _build_gather(n, s, d)(table, idx)
    return out.reshape(b, c, d)

# --- scband reference (transcript-rebuilt; emitter-appended) ---
"""Pipeline reference for scband-open-aigptmultiple-choice-head-custom-25202868093293 (READ-ONLY COPY).

The authoritative reference and input builder live on the scoring server;
editing this copy changes nothing except your own understanding.
"""

import jax, jax.numpy as jnp
import numpy as np

B, C, S, D = 8, 4, 2048, 1024

def setup_inputs(seed: int = 0) -> dict:
    key = jax.random.key(seed)
    k1, k2 = jax.random.split(key)
    hidden_states = jax.random.normal(k1, (B, C, S, D), dtype=jnp.float32)
    mc_token_ids = jax.random.randint(k2, (B, C), 0, S, dtype=jnp.int32)
    return {"hidden_states": hidden_states, "mc_token_ids": mc_token_ids}

def reference(hidden_states, mc_token_ids):
    # mc_token_ids: [B, C] -> [B, C, 1, D] expanded index for gather along seq axis (dim=2)
    idx = mc_token_ids[:, :, None, None]
    idx = jnp.broadcast_to(idx, (hidden_states.shape[0], hidden_states.shape[1], 1, hidden_states.shape[3]))
    multiple_choice_h = jnp.take_along_axis(hidden_states, idx, axis=2)  # [B, C, 1, D]
    multiple_choice_h = multiple_choice_h[:, :, 0, :]  # squeeze(2) -> [B, C, D]
    return multiple_choice_h

if __name__ == "__main__":
    import jax
    _d = setup_inputs()
    print(jax.jit(kernel)(*tuple(_d.values())))

</pallas_src>

<mosaic_0001>
#map = affine_map<(d0, d1) -> (0, 0)>
#map1 = affine_map<(d0, d1) -> (0)>
module attributes {stable_mosaic.version = 14 : i64} {
  func.func @gather_kernel(%arg0: i32, %arg1: i32, %arg2: memref<65536x1024xf32, #tpu.memory_space<hbm>>, %arg3: memref<32xi32, #tpu.memory_space<hbm>>, %arg4: memref<32x1024xf32, #tpu.memory_space<hbm>>, %arg5: memref<16xi32, #tpu.memory_space<vmem>>, %arg6: memref<8x128xf32, #tpu.memory_space<vmem>>, %arg7: memref<!tpu.dma_semaphore, #tpu.memory_space<semaphore_mem>>) attributes {dimension_semantics = [#tpu.dimension_semantics<core_parallel>, #tpu.dimension_semantics<subcore_parallel>], iteration_bounds = array<i64: 2, 16>, scalar_prefetch = 0 : i64, scratch_operands = 3 : i64, tpu.core_type = #tpu.core_type<sc_vector_subcore>, window_params = [{transform_indices = #map}, {transform_indices = #map1}, {transform_indices = #map}]} {
    %mul3A = arith.constant 2 : i32
    %mul3A_0 = arith.muli %arg1, %mul3A : i32
    %add3A = arith.addi %mul3A_0, %arg0 : i32
    %jit3A = arith.constant 8 : i32
    %div3A = arith.divsi %add3A, %jit3A : i32
    %sign3A = arith.constant 0 : i32
    %sign3A_1 = arith.cmpi sgt, %add3A, %sign3A : i32
    %sign3A_2 = arith.extui %sign3A_1 : i1 to i32
    %sign3A_3 = arith.constant 0 : i32
    %sign3A_4 = arith.cmpi slt, %add3A, %sign3A_3 : i32
    %sign3A_5 = arith.extui %sign3A_4 : i1 to i32
    %sign3A_6 = arith.subi %sign3A_2, %sign3A_5 : i32
    %sign3A_7 = arith.constant 0 : i32
    %sign3A_8 = arith.cmpi sgt, %jit3A, %sign3A_7 : i32
    %sign3A_9 = arith.extui %sign3A_8 : i1 to i32
    %sign3A_10 = arith.constant 0 : i32
    %sign3A_11 = arith.cmpi slt, %jit3A, %sign3A_10 : i32
    %sign3A_12 = arith.extui %sign3A_11 : i1 to i32
    %sign3A_13 = arith.subi %sign3A_9, %sign3A_12 : i32
    %ne3A = arith.cmpi ne, %sign3A_6, %sign3A_13 : i32
    %rem3A = arith.remsi %add3A, %jit3A : i32
    %ne3A_14 = arith.constant 0 : i32
    %ne3A_15 = arith.cmpi ne, %rem3A, %ne3A_14 : i32
    %and3A = arith.andi %ne3A, %ne3A_15 : i1
    %sub3A = arith.constant 1 : i32
    %sub3A_16 = arith.subi %div3A, %sub3A : i32
    %select_n3A = arith.select %and3A, %sub3A_16, %div3A : i32
    %jit3A_17 = arith.constant 8 : i32
    %eq3A = arith.constant 0 : i32
    %eq3A_18 = arith.cmpi eq, %jit3A_17, %eq3A : i32
    %jit3A_19 = arith.constant 1 : i32
    %select_n3A_20 = arith.select %eq3A_18, %jit3A_19, %jit3A_17 : i32
    %rem3A_21 = arith.remsi %add3A, %select_n3A_20 : i32
    %ne3A_22 = arith.constant 0 : i32
    %ne3A_23 = arith.cmpi ne, %rem3A_21, %ne3A_22 : i32
    %lt3A = arith.constant 0 : i32
    %lt3A_24 = arith.cmpi slt, %rem3A_21, %lt3A : i32
    %lt3A_25 = arith.constant 0 : i32
    %lt3A_26 = arith.cmpi slt, %select_n3A_20, %lt3A_25 : i32
    %ne3A_27 = arith.xori %lt3A_24, %lt3A_26 : i1
    %and3A_28 = arith.andi %ne3A_27, %ne3A_23 : i1
    %add3A_29 = arith.addi %rem3A_21, %select_n3A_20 : i32
    %select_n3A_30 = arith.select %and3A_28, %add3A_29, %rem3A_21 : i32
    %mul3A_31 = arith.constant 8 : i32
    %mul3A_32 = arith.muli %select_n3A, %mul3A_31 : i32
    %mul3A_33 = arith.constant 128 : i32
    %mul3A_34 = arith.muli %select_n3A_30, %mul3A_33 : i32
    "tpu.region"() ({
      %run_scoped3A = tpu.sem_alloc : memref<!tpu.dma_semaphore, #tpu.memory_space<semaphore_mem>>
      %dma_start3A_52 = arith.constant 0 : i32
      %dma_start3A_53 = tpu.memref_slice %arg5[%dma_start3A_52] : memref<16xi32, #tpu.memory_space<vmem>> -> memref<8xi32, #tpu.memory_space<vmem>>
      %dma_start3A_54 = tpu.memref_slice %arg3[%mul3A_32] : memref<32xi32, #tpu.memory_space<hbm>> -> memref<8xi32, #tpu.memory_space<hbm>>
      %dma_start3A_55 = arith.constant 0 : i32
      %dma_start3A_56 = tpu.memref_slice %arg5[%dma_start3A_55] : memref<16xi32, #tpu.memory_space<vmem>> -> memref<8xi32, #tpu.memory_space<vmem>>
      %dma_start3A_57 = tpu.memref_slice %arg3[%mul3A_32] : memref<32xi32, #tpu.memory_space<hbm>> -> memref<8xi32, #tpu.memory_space<hbm>>
      tpu.enqueue_dma source(%dma_start3A_57 : memref<8xi32, #tpu.memory_space<hbm>>) target(%dma_start3A_56 : memref<8xi32, #tpu.memory_space<vmem>>) target_semaphore(%run_scoped3A : memref<!tpu.dma_semaphore, #tpu.memory_space<semaphore_mem>>)
      %dma_wait3A_58 = arith.constant 0 : i32
      %dma_wait3A_59 = tpu.memref_slice %arg5[%dma_wait3A_58] : memref<16xi32, #tpu.memory_space<vmem>> -> memref<8xi32, #tpu.memory_space<vmem>>
      %dma_wait3A_60 = tpu.memref_slice %arg3[%mul3A_32] : memref<32xi32, #tpu.memory_space<hbm>> -> memref<8xi32, #tpu.memory_space<hbm>>
      %dma_wait3A_61 = arith.constant 0 : i32
      %dma_wait3A_62 = tpu.memref_slice %arg5[%dma_wait3A_61] : memref<16xi32, #tpu.memory_space<vmem>> -> memref<8xi32, #tpu.memory_space<vmem>>
      %dma_wait3A_63 = tpu.memref_slice %arg3[%mul3A_32] : memref<32xi32, #tpu.memory_space<hbm>> -> memref<8xi32, #tpu.memory_space<hbm>>
      tpu.wait_dma2 semaphore(%run_scoped3A : memref<!tpu.dma_semaphore, #tpu.memory_space<semaphore_mem>>) src(%dma_wait3A_63 : memref<8xi32, #tpu.memory_space<hbm>>) dst(%dma_wait3A_62 : memref<8xi32, #tpu.memory_space<vmem>>)
      tpu.yield
    }) : () -> ()
    %get3A = arith.constant 0 : index
    %get3A_35 = tpu.vector_load %arg5[%get3A] {strides = array<i32>} : memref<16xi32, #tpu.memory_space<vmem>>, vector<16xi32>,
    %get3A_36 = vector.shape_cast %get3A_35 : vector<16xi32> to vector<16xi32>
    %iota3A = tpu.iota {dimensions = array<i32: 0>} : vector<16xi32>
    %add3A_37 = vector.broadcast %mul3A_32 : i32 to vector<16xi32>
    %add3A_38 = arith.addi %iota3A, %add3A_37 : vector<16xi32>
    %mul3A_39 = arith.constant 2048 : i32
    %mul3A_40 = vector.broadcast %mul3A_39 : i32 to vector<16xi32>
    %mul3A_41 = arith.muli %add3A_38, %mul3A_40 : vector<16xi32>
    %add3A_42 = arith.addi %get3A_36, %mul3A_41 : vector<16xi32>
    %swap3A = arith.constant 0 : index
    %swap3A_43 = tpu.vector_load %arg5[%swap3A] {strides = array<i32>} : memref<16xi32, #tpu.memory_space<vmem>>, vector<16xi32>,
    %swap3A_44 = vector.shape_cast %swap3A_43 : vector<16xi32> to vector<16xi32>
    %swap3A_45 = vector.shape_cast %add3A_42 : vector<16xi32> to vector<16xi32>
    tpu.vector_store %arg5[%swap3A], %swap3A_45 {strides = array<i32>} : memref<16xi32, #tpu.memory_space<vmem>>, vector<16xi32>,
    %dma_start3A = arith.constant 0 : i32
    %dma_start3A_46 = tpu.memref_slice %arg5[%dma_start3A] : memref<16xi32, #tpu.memory_space<vmem>> -> memref<8xi32, #tpu.memory_space<vmem>>
    %dma_start3A_47 = arith.constant 0 : i32
    %dma_start3A_48 = tpu.memref_slice %arg2[%dma_start3A_47, %mul3A_34] : memref<65536x1024xf32, #tpu.memory_space<hbm>> -> memref<65536x128xf32, #tpu.memory_space<hbm>>
    tpu.enqueue_indirect_dma source(%dma_start3A_48 : memref<65536x128xf32, #tpu.memory_space<hbm>>) target(%arg6 : memref<8x128xf32, #tpu.memory_space<vmem>>) offsets(%dma_start3A_46 : memref<8xi32, #tpu.memory_space<vmem>>) semaphore(%arg7 : memref<!tpu.dma_semaphore, #tpu.memory_space<semaphore_mem>>)
    %dma_wait3A = arith.constant 0 : i32
    %dma_wait3A_49 = tpu.memref_slice %arg5[%dma_wait3A] : memref<16xi32, #tpu.memory_space<vmem>> -> memref<8xi32, #tpu.memory_space<vmem>>
    %dma_wait3A_50 = arith.constant 0 : i32
    %dma_wait3A_51 = tpu.memref_slice %arg2[%dma_wait3A_50, %mul3A_34] : memref<65536x1024xf32, #tpu.memory_space<hbm>> -> memref<65536x128xf32, #tpu.memory_space<hbm>>
    tpu.wait_indirect_dma semaphore(%arg7 : memref<!tpu.dma_semaphore, #tpu.memory_space<semaphore_mem>>) src(%dma_wait3A_51 : memref<65536x128xf32, #tpu.memory_space<hbm>>) dst(%arg6 : memref<8x128xf32, #tpu.memory_space<vmem>>)
    "tpu.region"() ({
      %run_scoped3A = tpu.sem_alloc : memref<!tpu.dma_semaphore, #tpu.memory_space<semaphore_mem>>
      %dma_start3A_52 = tpu.memref_slice %arg4[%mul3A_32, %mul3A_34] : memref<32x1024xf32, #tpu.memory_space<hbm>> -> memref<8x128xf32, #tpu.memory_space<hbm>>
      %dma_start3A_53 = tpu.memref_slice %arg4[%mul3A_32, %mul3A_34] : memref<32x1024xf32, #tpu.memory_space<hbm>> -> memref<8x128xf32, #tpu.memory_space<hbm>>
      tpu.enqueue_dma source(%arg6 : memref<8x128xf32, #tpu.memory_space<vmem>>) target(%dma_start3A_53 : memref<8x128xf32, #tpu.memory_space<hbm>>) target_semaphore(%run_scoped3A : memref<!tpu.dma_semaphore, #tpu.memory_space<semaphore_mem>>)
      %dma_wait3A_54 = tpu.memref_slice %arg4[%mul3A_32, %mul3A_34] : memref<32x1024xf32, #tpu.memory_space<hbm>> -> memref<8x128xf32, #tpu.memory_space<hbm>>
      %dma_wait3A_55 = tpu.memref_slice %arg4[%mul3A_32, %mul3A_34] : memref<32x1024xf32, #tpu.memory_space<hbm>> -> memref<8x128xf32, #tpu.memory_space<hbm>>
      tpu.wait_dma2 semaphore(%run_scoped3A : memref<!tpu.dma_semaphore, #tpu.memory_space<semaphore_mem>>) src(%arg6 : memref<8x128xf32, #tpu.memory_space<vmem>>) dst(%dma_wait3A_55 : memref<8x128xf32, #tpu.memory_space<hbm>>)
      tpu.yield
    }) : () -> ()
    return
  }
}

</mosaic_0001>

<sc_bundles>
// kernel: kernel.3.cloned.1.call-start
scs
__scs_entry_jumppad:
0x0: {  	(pc) =	sbr.rel $0x88, $3  }
0x1: {  	(tag) =	ssettag $0x0;
	lr =	simm.s32 $0x1  }
0x2: {  	[smem:$0x3F9F] =	sst lr;
	_ =	strace $0xD0000000  }
0x3: {  	_ = 	snop  }
0x4: {  	_ = 	snop  }
0x5: {  	_ = 	snop  }
0x6: {  	_ = 	snop  }
0x7: {  	_ = 	snop  }
__scs_overlays_trampoline_lowered:
0x8: {  	[smem:$0x3FAE] =	sst s0  }
0x9: {  	[smem:$0x3FAF] =	sst s1  }
0xa: {  	[smem:$0x3FB0] =	sst s2  }
0xb: {  	[smem:$0x3FB1] =	sst s3  }
0xc: {  	[smem:$0x3FB2] =	sst s4  }
0xd: {  	[smem:$0x3FB3] =	sst s5  }
0xe: {  	[smem:$0x3FB4] =	sst s6  }
0xf: {  	[smem:$0x3FB5] =	sst s7  }
0x10: {  	[smem:$0x3FB6] =	sst s8  }
0x11: {  	[smem:$0x3FB7] =	sst s9;
	s0 =	simm.s32 @!p0 $0x0  }
0x12: {  	s1 =	sld [smem:$0x3F9D];
	s0 =	simm.s32 @p0 $0x1  }
0x13: {  	[smem:$0x3FB8] =	sst s0;
	s0 =	simm.s32 @!p1 $0x0  }
0x14: {  	s2 =	sld [smem:$0x3F9C];
	s0 =	simm.s32 @p1 $0x1  }
0x15: {  	[smem:$0x3FB9] =	sst s0;
	s0 =	simm.s32 @!p2 $0x0  }
0x16: {  	s3 =	sld [smem:$0x3FDB];
	s0 =	simm.s32 @p2 $0x1  }
0x17: {  	s4 =	simm.s32 $0x1BF5;
	[smem:$0x3FBB] =	sst s0  }
0x18: {  	s0 =	sld [smem:$0x3F9E];
	_ =	swait.ge [sflag:s4], $0x0  }
0x19: {  	s7 =	sld [smem:$0x3F9F]  }
0x1a: {  	s8 =	sadd.s32 $0xFFFFE003, lr  }
0x1b: {  	s9 =	sadd.s32 $0xFFFFFEF7, lr;
	s5 =	simm.s32 $0xFFFFFFFF;
	p2 =	slt.u32 s8, $0xFFFFF086  }
0x1c: {  	p1 =	slt.u32 s9, $0xF7A;
	s5 =	simm.s32 @!p2 $0x0  }
0x1d: {  	s5 =	simm.s32 @p1 $0x1;
	p0 =	seq.s32 s7, s2  }
0x1e: {  	s7 =	smul.u32 @!p0 $0xF7A, s2;
	p2 =	seq.s32 @!p0 s5, $0x0  }
0x1f: {  	s9 =	smul.u32 $0xF7A, s1;
	s8 =	simm.s32 @!p0 $0x1BF5;
	p2 =	por !p2, p0  }
0x20: {  	[sflag:s8] =	ssyncset.s32 @!p0 $0xFFFFF086;
	s6 =	sadd.s32 @!p0 s3, s7;
	s7 =	simm.s32 @!p0 $0x108  }
0x21: {  	s3 =	sadd.s32 s3, s9;
	s6 =	sadd.s32 @!p0 $0x88, s6;
	s7 =	simm.s32 @p2 $0x1082  }
0x22: {  	[simem:s7], [sflag:s8] =	dma.local @!p0 [hbm:s6], $0xF7A  }
0x23: {  	s9 =	sor.u32 $0xD0000000, s2;
	s6 =	simm.s32 $0x108;
	_ =	swait.ge @!p0 [sflag:s8], $0x0  }
0x24: {  	s3 =	sadd.s32 $0x88, s3;
	s6 =	simm.s32 @!p1 $0x1082;
	[sflag:s4] =	ssyncset.s32 $0xFFFFF086  }
0x25: {  	[simem:s6], [sflag:s4] =	dma.local [hbm:s3], $0xF7A  }
0x26: {  	[smem:$0x3F9F] =	sst s1;
	(tag) =	ssettag s2;
	_ =	strace s9  }
0x27: {  	s1 =	sld [smem:$0x3FAF]  }
0x28: {  	s2 =	sld [smem:$0x3FB0]  }
0x29: {  	s4 =	sld [smem:$0x3FB2]  }
0x2a: {  	p0 =	seq.s32 s5, $0x0;
	s5 =	sld [smem:$0x3FB3]  }
0x2b: {  	s6 =	sld [smem:$0x3FB4]  }
0x2c: {  	s7 =	sld [smem:$0x3FB5]  }
0x2d: {  	s3 =	simm.s32 $0x108;
	s8 =	sld [smem:$0x3FB6]  }
0x2e: {  	s3 =	simm.s32 @!p0 $0x1082;
	s9 =	sld [smem:$0x3FB7]  }
0x2f: {  	lr =	sadd.s32 s0, s3;
	s0 =	sld [smem:$0x3FAE]  }
0x30: {  	s3 =	sld [smem:$0x3FB1]  }
0x31: {  	[smem:$0x3FBA] =	sst s10  }
0x32: {  	s10 =	sld [smem:$0x3FB8];
	_ =	sdelay $0x3  }
0x33: {  	p0 =	seq.s32 s10, $0x1;
	s10 =	sld [smem:$0x3FBA];
	_ =	sdelay $0x3  }
0x34: {  	[smem:$0x3FBA] =	sst s10  }
0x35: {  	s10 =	sld [smem:$0x3FB9];
	_ =	sdelay $0x3  }
0x36: {  	p1 =	seq.s32 s10, $0x1;
	s10 =	sld [smem:$0x3FBA];
	_ =	sdelay $0x3  }
0x37: {  	[smem:$0x3FBA] =	sst s10  }
0x38: {  	s10 =	sld [smem:$0x3FBB]  }
0x39: {  	_ = 	snop;
	(pc) =	sbr.ind lr, $3  }
0x3a: {  	_ = 	snop  }
0x3b: {  	_ = 	snop  }
0x3c: {  	p2 =	seq.s32 s10, $0x1;
	s10 =	sld [smem:$0x3FBA]  }
0x3d: {  	_ =	shalt  }
0x3e: {  	_ =	shalt  }
0x3f: {  	_ =	shalt  }
0x40: {  	_ =	shalt  }
0x41: {  	_ =	shalt  }
0x42: {  	_ =	shalt  }
0x43: {  	_ =	shalt  }
0x44: {  	_ =	shalt  }
0x45: {  	_ =	shalt  }
0x46: {  	_ =	shalt  }
0x47: {  	_ =	shalt  }
0x48: {  	_ =	shalt  }
0x49: {  	_ =	shalt  }
0x4a: {  	_ =	shalt  }
0x4b: {  	_ =	shalt  }
0x4c: {  	_ =	shalt  }
0x4d: {  	_ =	shalt  }
0x4e: {  	_ =	shalt  }
0x4f: {  	_ =	shalt  }
0x50: {  	_ =	shalt  }
0x51: {  	_ =	shalt  }
0x52: {  	_ =	shalt  }
0x53: {  	_ =	shalt  }
0x54: {  	_ =	shalt  }
0x55: {  	_ =	shalt  }
0x56: {  	_ =	shalt  }
0x57: {  	_ =	shalt  }
0x58: {  	_ =	shalt  }
0x59: {  	_ =	shalt  }
0x5a: {  	_ =	shalt  }
0x5b: {  	_ =	shalt  }
0x5c: {  	_ =	shalt  }
0x5d: {  	_ =	shalt  }
0x5e: {  	_ =	shalt  }
0x5f: {  	_ =	shalt  }
0x60: {  	_ =	shalt  }
0x61: {  	_ =	shalt  }
0x62: {  	_ =	shalt  }
0x63: {  	_ =	shalt  }
0x64: {  	_ =	shalt  }
0x65: {  	_ =	shalt  }
0x66: {  	_ =	shalt  }
0x67: {  	_ =	shalt  }
0x68: {  	_ =	shalt  }
0x69: {  	_ =	shalt  }
0x6a: {  	_ =	shalt  }
0x6b: {  	_ =	shalt  }
0x6c: {  	_ =	shalt  }
0x6d: {  	_ =	shalt  }
0x6e: {  	_ =	shalt  }
0x6f: {  	_ =	shalt  }
0x70: {  	_ =	shalt  }
0x71: {  	_ =	shalt  }
0x72: {  	_ =	shalt  }
0x73: {  	_ =	shalt  }
0x74: {  	_ =	shalt  }
0x75: {  	_ =	shalt  }
0x76: {  	_ =	shalt  }
0x77: {  	_ =	shalt  }
0x78: {  	_ =	shalt  }
0x79: {  	_ =	shalt  }
0x7a: {  	_ =	shalt  }
0x7b: {  	_ =	shalt  }
0x7c: {  	_ =	shalt  }
0x7d: {  	_ =	shalt  }
0x7e: {  	_ =	shalt  }
0x7f: {  	_ =	shalt  }
0x80: {  	_ =	shalt  }
0x81: {  	_ =	shalt  }
0x82: {  	_ =	shalt  }
0x83: {  	_ =	shalt  }
0x84: {  	_ =	shalt  }
0x85: {  	_ =	shalt  }
0x86: {  	_ =	shalt  }
0x87: {  	_ =	shalt  }
.Lfunc_end0:
.L_simem_size_0:
called_computation_lowered:
.L_overlay_start_0:
0x88: {  	s2 =	sld [smem:$0x3FD9]  }
0x89: {  	s3 =	sld [smem:$0x3FFE];
	_ =	sdelay $0x1  }
0x8a: {  	s1 =	srdreg.scid  }
0x8b: {  	s0 =	sand.u32 $0x1, s1  }
0x8c: {  	s17 =	sshll.u32 s0, $0xA;
	s2 =	sadd.s32 s3, s2  }
0x8d: {  	s2 =	sadd.s32 s2, s17  }
0x8e: {  	[smem:$0x3FC6] =	sst s2  }
0x8f: {  	_ = 	snop  }
0x90: {  	s2 =	sld [smem:$0x3FC9]  }
0x91: {  	s18 =	sld [smem:$0x3FD0];
	(tm) =	ssettm $0x1  }
0x92: {  	s4 =	sld [smem:$0x3FFB];
	_ =	sdelay $0x3  }
0x93: {  	_ =	strace s4  }
0x94: {  	s4 =	sld [smem:$0x3FFC];
	_ =	sdelay $0x3  }
0x95: {  	_ =	strace s4  }
0x96: {  	s4 =	sld [smem:$0x3FFD];
	_ =	sdelay $0x3  }
0x97: {  	_ =	strace s4  }
0x98: {  	_ =	strace $0x8FFFFFFF  }
0x99: {  	s19 =	sld [smem:$0x3FDB];
	_ =	sdelay $0x1  }
0x9a: {  	s5 =	simm.s32 $_scs_section_size  }
0x9b: {  	s6 =	simm.s32 $_size__tile_overlayer_lowered;
	s7 =	simm.s32 $_tile_overlayer_lowered  }
0x9c: {  	s22 =	simm.s32 $0x1BFF;
	s21 =	sshll.u32 s7, $0x1;
	s4 =	sadd.s32 s5, s19  }
0x9d: {  	s8 =	simm.s32 $0x0;
	s20 =	sshll.u32 s6, $0x1;
	s6 =	sadd.s32 s21, s4  }
0x9e: {  	[timem:s8], [sflag:s22] =	dma.local [hbm:s6], s20  }
0x9f: {  	_ =	swait.ge [sflag:s22], s20  }
0xa0: {  	s5 =	ssub.s32 $0x0, s20;
	[sflag:s22] =	ssyncset.done $0x0  }
0xa1: {  	[sflag:s22] =	ssyncadd.s32 s5;
	_ =	sdelay $0x1  }
0xa2: {  	s23 =	simm.s32 $0x1B8B  }
0xa3: {  	_ =	swait.ge [sflag:s23], $0x1  }
0xa4: {  	[sflag:s23] =	ssyncset.done $0x0  }
0xa5: {  	s25 =	simm.s32 $0x1B8E;
	s24 =	sld [smem:$0x3FFE];
	[sflag:s23] =	ssyncadd.s32 $0xFFFFFFFF  }
0xa6: {  	s26 =	simm.s32 $execute0_lowered;
	[smem:$0x3FD2] =	sst s25  }
0xa7: {  	s6 =	sshll.u32 s26, $0x1;
	_ =	strace $0x80000046;
	[dreg:$0x1] =	wrdreg $0xFFFFFFFF  }
0xa8: {  	s28 =	simm.s32 $_size_execute0_lowered;
	s4 =	sadd.s32 s4, s6;
	[dreg:$0x0] =	wrdreg $0x0  }
0xa9: {  	s6 =	sshll.u32 s28, $0x1;
	[dreg:$0x2] =	wrdreg s4  }
0xaa: {  	[dreg:$0x3] =	wrdreg s6  }
0xab: {  	[dreg:$0x4] =	wrdreg $0xC0  }
0xac: {  	_ =	task [dreg:s8], $0x5FFFF  }
0xad: {  	[dreg:$0x1] =	wrdreg $0xFFFFFFFF  }
0xae: {  	[dreg:$0x0] =	wrdreg $0x60  }
0xaf: {  	[dreg:$0x2] =	wrdreg s2  }
0xb0: {  	[dreg:$0x3] =	wrdreg s18  }
0xb1: {  	[dreg:$0x4] =	wrdreg s24  }
0xb2: {  	[dreg:$0x5] =	wrdreg $0x9  }
0xb3: {  	_ =	task.clear_ibuf [dreg:s8], $0x6FFFF;
	_ =	strace $0x90000046  }
0xb4: {  	s29 =	simm.s32 $0x9;
	_ =	strace $0x80000048  }
0xb5: {  	_ =	swait.ge [sflag:s29], $0x1  }
0xb6: {  	[sflag:s29] =	ssyncadd.s32 $0xFFFFFFFF  }
0xb7: {  	_ =	strace $0x90000048  }
0xb8: {  	_ =	sfence  }
0xb9: {  	s30 =	sld [smem:$0x0];
	_ =	sdelay $0x2  }
0xba: {  	s31 =	sshll.u32 s1, $0xD;
	s1 =	sshrl.u32 s1, $0x2  }
0xbb: {  	s3 =	sand.u32 $0x4000, s31;
	s1 =	sadd.s32 s1, s30  }
0xbc: {  	s0 =	sor.u32 s3, s0;
	s1 =	sshll.u32 s1, $0x11  }
0xbd: {  	s0 =	sor.u32 s1, s0  }
0xbe: {  	s0 =	sadd.s32 $0x8F2B, s0  }
0xbf: {  	[sflag:s0] =	ssyncadd.remote.s32 $0x1  }
0xc0: {  	_ =	sfence.sel $0xFFFF  }
0xc1: {  	[dreg:$0x0] =	wrdreg $0xFFFFFFFF;
	(pc) =	sbr.abs _section_cstart, $3  }
0xc2: {  	[dreg:$0x1] =	wrdreg $0xFFFFFFFF  }
0xc3: {  	_ =	task.clear_ibuf [dreg:s8], $0x2FFFF;
	_ =	strace $0x9FFFFFFF  }
0xc4: {  	(tm) =	ssettm $0x7FFFFFFF  }
0xc5: {  	_ =	shalt  }
tec
execute0_lowered:
.L_overlay_start_1:
0x0: {  	(tag) =	ssettag $0x1  }
0x1: {  	s5 =	rddreg [dreg:$0x0]  }
0x2: {  	s3 =	rddreg [dreg:$0x1]  }
0x3: {  	s15 =	rddreg [dreg:$0x2]  }
0x4: {  	s0 =	rddreg [dreg:$0x3];
	s2 =	simm.s32 $0x0;
	s1 =	stileid.u32  }
0x5: {  	[smem:$0x7FF] =	sst s2;
	s12 =	sshrl.u32 s1, $0x2  }
0x6: {  	_ =	strace $0x80000047;
	s4 =	sadd.s32 s3, s12;
	s3 =	simm.s32 $0x2  }
0x7: {  	[tilespmem:s2], [sflag:$0x2] =	stream.linear.gather [hbm4b:s4+s2], $0x8, $0x38;
	[tilespmem:$0x480] =	vst v63  }
0x8: {  	_ =	swait.ge [sflag:s3], $0x8  }
0x9: {  	[sflag:s3] =	ssyncset.done $0x0  }
0xa: {  	[sflag:s3] =	ssyncadd.s32 $0xFFFFFFF8  }
0xb: {  	v1 =	vld [tilespmem:$0x0]  }
0xc: {  	v2 =	vlaneseq.u32;
	s6 =	sshll.u32 s12, $0x3  }
0xd: {  	v3 =	vmul.u32 $0x800, v2;
	v0 =	vmov s6  }
0xe: {  	v0 =	vshll.u32 v0, $0xB  }
0xf: {  	v0 =	vadd.s32 v3, v0  }
0x10: {  	v1 =	vadd.s32 v0, v1  }
0x11: {  	[tilespmem:$0x0] =	vst v1  }
0x12: {  	v1 =	vld.msk [tilespmem:$0x0], $0xff;
	_ =	sdelay $0x4  }
0x13: {  	v3 =	vshll.u32 v1, $0x3  }
0x14: {  	v4 =	vand.u32 $0x7, v1;
	v3 =	vand.u32 $0xFFFFFFC0, v3  }
0x15: {  	v1 =	vimm.s32 $0x0;
	v10 =	vor.u32 v4, v3  }
0x16: {  	v2 =	vmul.u32 $0x8, v2;
	v4 =	vperm.xlane v10, v1  }
0x17: {  	v3 =	vimm.s32 $0x1  }
0x18: {  	s28 =	srdreg.scid;
	s7 =	sshll.u32 s1, $0x1;
	v5 =	vperm.xlane v10, v3;
	v7 =	vadd.s32 v2, v4  }
0x19: {  	s13 =	sand.u32 $0x1, s28;
	s29 =	sand.u32 $0x6, s7;
	v4 =	vimm.s32 $0x2  }
0x1a: {  	s6 =	sor.u32 s13, s29;
	v8 =	vadd.s32 v2, v5;
	v6 =	vperm.xlane v10, v4  }
0x1b: {  	s16 =	sshll.u32 s6, $0x7;
	v5 =	vimm.s32 $0x3  }
0x1c: {  	vm0 =	vmmov $0x1;
	s6 =	simm.s32 $0x80;
	s5 =	sadd.s32 s5, s16;
	v9 =	vperm.xlane v10, v5;
	v11 =	vadd.s32 v2, v6  }
0x1d: {  	v6 =	vimm.s32 $0x4;
	[tilespmem:s6], [sflag:$0x1] =	stream.indirect_vreg.gather [hbm4b:s5+s2], $0x80, v7, vm0, $0xb8;
	[tilespmem:$0x480] =	vst v63  }
0x1e: {  	s7 =	simm.s32 $0x100;
	v13 =	vadd.s32 v2, v9;
	v12 =	vperm.xlane v10, v6  }
0x1f: {  	v7 =	vimm.s32 $0x5;
	[tilespmem:s7], [sflag:$0x1] =	stream.indirect_vreg.gather [hbm4b:s5+s2], $0x80, v8, vm0, $0xb8;
	[tilespmem:$0x480] =	vst v63  }
0x20: {  	s8 =	simm.s32 $0x180;
	v9 =	vperm.xlane v10, v7;
	v12 =	vadd.s32 v2, v12  }
0x21: {  	v8 =	vimm.s32 $0x6;
	[tilespmem:s8], [sflag:$0x1] =	stream.indirect_vreg.gather [hbm4b:s5+s2], $0x80, v11, vm0, $0xb8;
	[tilespmem:$0x480] =	vst v63  }
0x22: {  	s9 =	simm.s32 $0x200;
	v14 =	vadd.s32 v2, v9;
	v11 =	vperm.xlane v10, v8  }
0x23: {  	v9 =	vimm.s32 $0x7;
	[tilespmem:s9], [sflag:$0x1] =	stream.indirect_vreg.gather [hbm4b:s5+s2], $0x80, v13, vm0, $0xb8;
	[tilespmem:$0x480] =	vst v63  }
0x24: {  	s10 =	simm.s32 $0x280;
	s18 =	ssub.s32 $0x2, s13;
	v10 =	vperm.xlane v10, v9;
	v11 =	vadd.s32 v2, v11  }
0x25: {  	[tilespmem:s10], [sflag:$0x1] =	stream.indirect_vreg.gather [hbm4b:s5+s2], $0x80, v12, vm0, $0xb8;
	[tilespmem:$0x480] =	vst v63  }
0x26: {  	s11 =	simm.s32 $0x300;
	s17 =	sshll.u32 s12, $0xA;
	s30 =	sshrl.u32 s18, $0x1;
	v10 =	vadd.s32 v2, v10  }
0x27: {  	[tilespmem:s11], [sflag:$0x1] =	stream.indirect_vreg.gather [hbm4b:s5+s2], $0x80, v14, vm0, $0xb8;
	[tilespmem:$0x480] =	vst v63  }
0x28: {  	s12 =	simm.s32 $0x380;
	s15 =	sadd.s32 s17, s15;
	s17 =	ssub.s32 s18, s30  }
0x29: {  	[tilespmem:s12], [sflag:$0x1] =	stream.indirect_vreg.gather [hbm4b:s5+s2], $0x80, v11, vm0, $0xb8;
	[tilespmem:$0x480] =	vst v63  }
0x2a: {  	s14 =	simm.s32 $0x1;
	s13 =	simm.s32 $0x400;
	s31 =	smax.u32 s17, $0x1  }
0x2b: {  	[tilespmem:s13], [sflag:$0x1] =	stream.indirect_vreg.gather [hbm4b:s5+s2], $0x80, v10, vm0, $0xb8;
	[tilespmem:$0x480] =	vst v63  }
0x2c: {  	p0 =	sne.s32 s31, $0x1;
	_ =	swait.ge [sflag:s14], $0x400  }
.Ltmp0:
0x2d: {  	s15 =	sadd.s32 s16, s15;
	[sflag:s14] =	ssyncset.done $0x0;
	(pc) =	sbr.rel @!p0 .LBB2_2-.Ltmp0, $4  }
0x2e: {  	s15 =	sadd.s32 $0x400, s15;
	[sflag:s14] =	ssyncadd.s32 $0xFFFFFC00  }
0x2f: {  	[hbm4b:s15+s2] =	stream.linear.scatter [tilespmem:s6], [sflag:$0x2], $0x400, $0x38;
	[tilespmem:$0x480] =	vst v63  }
0x30: {  	_ =	swait.ge [sflag:s3], $0x400  }
0x31: {  	s16 =	sadd.s32 $0xFFFFFFFF, s31;
	[sflag:s3] =	ssyncset.done $0x0  }
.LBB2_1:
0x32: {  	p0 =	sne.s32 s16, $0x1;
	s16 =	sadd.s32 $0xFFFFFFFF, s16;
	[sflag:s3] =	ssyncadd.s32 $0xFFFFFC00  }
0x33: {  	[tilespmem:s2], [sflag:$0x2] =	stream.linear.gather [hbm4b:s4+s2], $0x8, $0x38;
	[tilespmem:$0x480] =	vst v63  }
0x34: {  	_ =	swait.ge [sflag:s3], $0x8  }
0x35: {  	[sflag:s3] =	ssyncset.done $0x0  }
0x36: {  	[sflag:s3] =	ssyncadd.s32 $0xFFFFFFF8  }
0x37: {  	v10 =	vld [tilespmem:$0x0];
	_ =	sdelay $0x4  }
0x38: {  	v10 =	vadd.s32 v0, v10  }
0x39: {  	[tilespmem:$0x0] =	vst v10  }
0x3a: {  	v10 =	vld.msk [tilespmem:$0x0], $0xff;
	_ =	sdelay $0x4  }
0x3b: {  	v11 =	vshll.u32 v10, $0x3  }
0x3c: {  	v10 =	vand.u32 $0x7, v10;
	v11 =	vand.u32 $0xFFFFFFC0, v11  }
0x3d: {  	v10 =	vor.u32 v10, v11  }
0x3e: {  	v11 =	vperm.xlane v10, v1;
	v12 =	vperm.xlane v10, v3  }
0x3f: {  	v13 =	vperm.xlane v10, v4;
	v14 =	vperm.xlane v10, v5  }
0x40: {  	v15 =	vperm.xlane v10, v6;
	v16 =	vperm.xlane v10, v7;
	v11 =	vadd.s32 v2, v11  }
0x41: {  	v17 =	vperm.xlane v10, v8;
	v10 =	vperm.xlane v10, v9  }
0x42: {  	v12 =	vadd.s32 v2, v12;
	_ =	sdelay $0x1  }
0x43: {  	v13 =	vadd.s32 v2, v13  }
0x44: {  	[tilespmem:s6], [sflag:$0x1] =	stream.indirect_vreg.gather [hbm4b:s5+s2], $0x80, v11, vm0, $0xb8;
	[tilespmem:$0x480] =	vst v63  }
0x45: {  	v11 =	vadd.s32 v2, v14  }
0x46: {  	[tilespmem:s7], [sflag:$0x1] =	stream.indirect_vreg.gather [hbm4b:s5+s2], $0x80, v12, vm0, $0xb8;
	[tilespmem:$0x480] =	vst v63  }
0x47: {  	v12 =	vadd.s32 v2, v15  }
0x48: {  	[tilespmem:s8], [sflag:$0x1] =	stream.indirect_vreg.gather [hbm4b:s5+s2], $0x80, v13, vm0, $0xb8;
	[tilespmem:$0x480] =	vst v63  }
0x49: {  	v13 =	vadd.s32 v2, v16  }
0x4a: {  	[tilespmem:s9], [sflag:$0x1] =	stream.indirect_vreg.gather [hbm4b:s5+s2], $0x80, v11, vm0, $0xb8;
	[tilespmem:$0x480] =	vst v63  }
0x4b: {  	v11 =	vadd.s32 v2, v17  }
0x4c: {  	[tilespmem:s10], [sflag:$0x1] =	stream.indirect_vreg.gather [hbm4b:s5+s2], $0x80, v12, vm0, $0xb8;
	[tilespmem:$0x480] =	vst v63  }
0x4d: {  	v10 =	vadd.s32 v2, v10  }
0x4e: {  	[tilespmem:s11], [sflag:$0x1] =	stream.indirect_vreg.gather [hbm4b:s5+s2], $0x80, v13, vm0, $0xb8;
	[tilespmem:$0x480] =	vst v63  }
0x4f: {  	_ = 	snop  }
0x50: {  	[tilespmem:s12], [sflag:$0x1] =	stream.indirect_vreg.gather [hbm4b:s5+s2], $0x80, v11, vm0, $0xb8;
	[tilespmem:$0x480] =	vst v63  }
0x51: {  	_ = 	snop  }
0x52: {  	[tilespmem:s13], [sflag:$0x1] =	stream.indirect_vreg.gather [hbm4b:s5+s2], $0x80, v10, vm0, $0xb8;
	[tilespmem:$0x480] =	vst v63  }
0x53: {  	_ =	swait.ge [sflag:s14], $0x400  }
.Ltmp1:
0x54: {  	[sflag:s14] =	ssyncset.done $0x0;
	(pc) =	sbr.rel @p0 .LBB2_1-.Ltmp1, $4  }
0x55: {  	[sflag:s14] =	ssyncadd.s32 $0xFFFFFC00  }
0x56: {  	[hbm4b:s15+s2] =	stream.linear.scatter [tilespmem:s6], [sflag:$0x2], $0x400, $0x38;
	[tilespmem:$0x480] =	vst v63  }
0x57: {  	_ =	swait.ge [sflag:s3], $0x400  }
0x58: {  	[sflag:s3] =	ssyncset.done $0x0  }
.LBB2_2:
0x59: {  	[sflag:s3] =	ssyncadd.s32 $0xFFFFFC00  }
0x5a: {  	_ =	sfence.sel $0x180000  }
0x5b: {  	[bflag:$0x0] =	sbarrier.arrive $0xFFFF  }
0x5c: {  	p0 =	sne.s32 s1, $0x0;
	_ =	strace $0x90000047  }
0x5d: {  	s0 =	sadd.s32 @!p0 $0x100000, s0;
	[bflag:$0x2] =	sbarrier.arrive $0xFFFF  }
0x5e: {  	[sflag:s0] =	ssyncadd.tile.s32 @!p0 $0x1;
	_ =	shalt  }
.Lfunc_end2:
_tile_overlayer_lowered:
.L_overlay_start_2:
0x5f: {  	(tag) =	ssettag $0x2  }
0x60: {  	s0 =	rddreg [dreg:$0x0];
	s2 =	stileid.u32  }
0x61: {  	s1 =	rddreg [dreg:$0x1];
	p0 =	sne.s32 s2, $0x0  }
0x62: {  	s3 =	rddreg [dreg:$0x2];
	[bflag:$0x3] =	sbarrier.arrive $0xFFFF;
	s2 =	simm.s32 @!p0 $0x1C02  }
0x63: {  	[timem:s3], [sflag:s2] =	dma.local @!p0 [hbm:s0], s1  }
0x64: {  	s0 =	simm.s32 @!p0 $0x2  }
0x65: {  	_ =	swait.ge @!p0 [sflag:s0], s1  }
0x66: {  	s1 =	ssub.s32 @!p0 $0x0, s1;
	[sflag:s0] =	ssyncset.done @!p0 $0x0  }
0x67: {  	[sflag:s0] =	ssyncadd.s32 @!p0 s1  }
0x68: {  	[bflag:$0x3] =	sbarrier.arrive $0xFFFF  }
0x69: {  	_ =	shalt  }

</sc_bundles>
